<compile_context>
chip_gen: v7x
topology: tpu7x:2x2x1
jax: 0.10.2.dev20260603
libtpu: 0.0.44.dev20260713+nightly
codegen_flags: <defaults>
</compile_context>

<pallas_src>
import dataclasses
import functools

import jax
import jax.numpy as jnp
from jax import lax
from jax.experimental import pallas as pl
from jax.experimental.pallas import tpu as pltpu
from jax.experimental.pallas import tpu_sc as plsc

BATCH = 16384
DIM = 64
LANES = 16
NUM_CORES = 2
NUM_SUBCORES = 16
NUM_WORKERS = NUM_CORES * NUM_SUBCORES
B_PER_W = BATCH // NUM_WORKERS
CHUNK = 128


def _transe_sc(hslice, hoff, rel, tslice, toff, ent2, reltab):
    mesh = plsc.VectorSubcoreMesh(core_axis_name="c", subcore_axis_name="s")
    cp = pltpu.CompilerParams()
    if "needs_layout_passes" in pltpu.CompilerParams.__dataclass_fields__:
        cp = dataclasses.replace(cp, needs_layout_passes=False)

    @functools.partial(
        pl.kernel,
        mesh=mesh,
        compiler_params=cp,
        out_type=jax.ShapeDtypeStruct((BATCH, DIM), jnp.float32),
        scratch_types=[
            pltpu.VMEM((B_PER_W,), jnp.int32),
            pltpu.VMEM((B_PER_W,), jnp.int32),
            pltpu.VMEM((B_PER_W,), jnp.int32),
            pltpu.VMEM((B_PER_W,), jnp.int32),
            pltpu.VMEM((B_PER_W,), jnp.int32),
            pltpu.VMEM((CHUNK, 2 * DIM), jnp.float32),
            pltpu.VMEM((CHUNK, 2 * DIM), jnp.float32),
            pltpu.VMEM((3, DIM), jnp.float32),
            pltpu.VMEM((CHUNK, DIM), jnp.float32),
            pltpu.SemaphoreType.DMA,
            pltpu.SemaphoreType.DMA,
        ],
    )
    def k(hsl_hbm, hof_hbm, rel_hbm, tsl_hbm, tof_hbm, ent2_hbm,
          reltab_hbm, out_hbm,
          hsl_v, hof_v, rel_v, tsl_v, tof_v, h2_v, t2_v, rtab_v, out_v,
          hsem, tsem):
        wid = lax.axis_index("s") * NUM_CORES + lax.axis_index("c")
        base = wid * B_PER_W
        pltpu.sync_copy(hsl_hbm.at[pl.ds(base, B_PER_W)], hsl_v)
        pltpu.sync_copy(hof_hbm.at[pl.ds(base, B_PER_W)], hof_v)
        pltpu.sync_copy(rel_hbm.at[pl.ds(base, B_PER_W)], rel_v)
        pltpu.sync_copy(tsl_hbm.at[pl.ds(base, B_PER_W)], tsl_v)
        pltpu.sync_copy(tof_hbm.at[pl.ds(base, B_PER_W)], tof_v)
        pltpu.sync_copy(reltab_hbm, rtab_v)

        lane = lax.broadcasted_iota(jnp.int32, (LANES,), 0)

        @pl.loop(0, B_PER_W, step=CHUNK)
        def _(c):
            cp_h = pltpu.make_async_copy(
                ent2_hbm.at[hsl_v.at[pl.ds(c, CHUNK)]], h2_v, hsem
            )
            cp_t = pltpu.make_async_copy(
                ent2_hbm.at[tsl_v.at[pl.ds(c, CHUNK)]], t2_v, tsem
            )
            cp_h.start()
            cp_t.start()
            cp_h.wait()
            cp_t.wait()

            @pl.loop(0, CHUNK)
            def _(i):
                g = jnp.full((LANES,), c + i, jnp.int32)
                iv = jnp.full((LANES,), i, jnp.int32)
                ho = plsc.load_gather(hof_v, [g])
                to = plsc.load_gather(tof_v, [g])
                rv = plsc.load_gather(rel_v, [g])
                for j in range(DIM // LANES):
                    ln = lane + (j * LANES)
                    hc = plsc.load_gather(h2_v, [iv, ho + ln])
                    tc = plsc.load_gather(t2_v, [iv, to + ln])
                    rc = plsc.load_gather(rtab_v, [rv, ln])
                    out_v.at[i, pl.ds(j * LANES, LANES)][...] = hc + rc - tc

            pltpu.sync_copy(out_v, out_hbm.at[pl.ds(base + c, CHUNK)])

    return k(hslice, hoff, rel, tslice, toff, ent2, reltab)


@jax.jit
def kernel(head, relation, tail, entity_emb, relation_emb):
    head = head.astype(jnp.int32)
    relation = relation.astype(jnp.int32)
    tail = tail.astype(jnp.int32)
    ent2 = jnp.reshape(
        lax.optimization_barrier(entity_emb),
        (entity_emb.shape[0] // 2, 2 * DIM),
    )
    return _transe_sc(
        head >> 1, (head & 1) * DIM, relation,
        tail >> 1, (tail & 1) * DIM,
        ent2, relation_emb,
    )

# --- scband reference (transcript-rebuilt; emitter-appended) ---
"""Pipeline reference for scband-kgemodel-56092272886018 (READ-ONLY COPY).

The authoritative reference and input builder live on the scoring server;
editing this copy changes nothing except your own understanding.
"""

import jax, jax.numpy as jnp
import numpy as np

NUM_USER = 500000
NUM_ITEM = 490000
NUM_ASPECT = 10000
NUM_ENTITY = NUM_USER + NUM_ITEM + NUM_ASPECT
NUM_RELATION = 3
ENTITY_DIM = 64
BATCH = 16384


def setup_inputs(seed: int = 0) -> dict:
    key = jax.random.key(seed)
    k1, k2, k3, k4, k5 = jax.random.split(key, 5)
    head = jax.random.randint(k1, (BATCH,), 0, NUM_ENTITY, dtype=jnp.int64) if jax.config.jax_enable_x64 else jax.random.randint(k1, (BATCH,), 0, NUM_ENTITY).astype(jnp.int32)
    relation = jax.random.randint(k2, (BATCH,), 0, NUM_RELATION).astype(jnp.int32)
    tail = jax.random.randint(k3, (BATCH,), 0, NUM_ENTITY).astype(jnp.int32)
    entity_emb = jax.random.normal(k4, (NUM_ENTITY, ENTITY_DIM), dtype=jnp.float32) * 0.01
    relation_emb = jax.random.normal(k5, (NUM_RELATION, ENTITY_DIM), dtype=jnp.float32) * 0.01
    return {
        "head": head,
        "relation": relation,
        "tail": tail,
        "entity_emb": entity_emb,
        "relation_emb": relation_emb,
    }


def reference(head, relation, tail, entity_emb, relation_emb):
    # KGEModel.forward with model_name='TransE':
    #   h = entity_embeddings(head); r = relation_embeddings(relation); t = entity_embeddings(tail)
    #   score = h + r - t
    # (trans_entity_ebds_to_uia_ebds only copies slices of the entity table into
    #  user/item/aspect tables as a side effect and does not affect the output.)
    h = jnp.take(entity_emb, head, axis=0)
    r = jnp.take(relation_emb, relation, axis=0)
    t = jnp.take(entity_emb, tail, axis=0)
    return h + r - t

if __name__ == "__main__":
    import jax
    _d = setup_inputs()
    print(jax.jit(kernel)(*tuple(_d.values())))

</pallas_src>

<mosaic_0001>
#map = affine_map<(d0, d1) -> (0)>
#map1 = affine_map<(d0, d1) -> (0, 0)>
module attributes {stable_mosaic.version = 14 : i64} {
  func.func @k(%arg0: i32, %arg1: i32, %arg2: memref<16384xi32, #tpu.memory_space<hbm>>, %arg3: memref<16384xi32, #tpu.memory_space<hbm>>, %arg4: memref<16384xi32, #tpu.memory_space<hbm>>, %arg5: memref<16384xi32, #tpu.memory_space<hbm>>, %arg6: memref<16384xi32, #tpu.memory_space<hbm>>, %arg7: memref<500000x128xf32, #tpu.memory_space<hbm>>, %arg8: memref<3x64xf32, #tpu.memory_space<hbm>>, %arg9: memref<16384x64xf32, #tpu.memory_space<hbm>>, %arg10: memref<512xi32, #tpu.memory_space<vmem>>, %arg11: memref<512xi32, #tpu.memory_space<vmem>>, %arg12: memref<512xi32, #tpu.memory_space<vmem>>, %arg13: memref<512xi32, #tpu.memory_space<vmem>>, %arg14: memref<512xi32, #tpu.memory_space<vmem>>, %arg15: memref<128x128xf32, #tpu.memory_space<vmem>>, %arg16: memref<128x128xf32, #tpu.memory_space<vmem>>, %arg17: memref<3x64xf32, #tpu.memory_space<vmem>>, %arg18: memref<128x64xf32, #tpu.memory_space<vmem>>, %arg19: memref<!tpu.dma_semaphore, #tpu.memory_space<semaphore_mem>>, %arg20: memref<!tpu.dma_semaphore, #tpu.memory_space<semaphore_mem>>) attributes {dimension_semantics = [#tpu.dimension_semantics<core_parallel>, #tpu.dimension_semantics<subcore_parallel>], iteration_bounds = array<i64: 2, 16>, scalar_prefetch = 0 : i64, scratch_operands = 11 : i64, tpu.core_type = #tpu.core_type<sc_vector_subcore>, window_params = [{transform_indices = #map}, {transform_indices = #map}, {transform_indices = #map}, {transform_indices = #map}, {transform_indices = #map}, {transform_indices = #map1}, {transform_indices = #map1}, {transform_indices = #map1}]} {
    %mul3A = arith.constant 2 : i32
    %mul3A_0 = arith.muli %arg1, %mul3A : i32
    %add3A = arith.addi %mul3A_0, %arg0 : i32
    %mul3A_1 = arith.constant 512 : i32
    %mul3A_2 = arith.muli %add3A, %mul3A_1 : i32
    "tpu.region"() ({
      %run_scoped3A = tpu.sem_alloc : memref<!tpu.dma_semaphore, #tpu.memory_space<semaphore_mem>>
      %dma_start3A = tpu.memref_slice %arg2[%mul3A_2] : memref<16384xi32, #tpu.memory_space<hbm>> -> memref<512xi32, #tpu.memory_space<hbm>>
      %dma_start3A_7 = tpu.memref_slice %arg2[%mul3A_2] : memref<16384xi32, #tpu.memory_space<hbm>> -> memref<512xi32, #tpu.memory_space<hbm>>
      tpu.enqueue_dma source(%dma_start3A_7 : memref<512xi32, #tpu.memory_space<hbm>>) target(%arg10 : memref<512xi32, #tpu.memory_space<vmem>>) target_semaphore(%run_scoped3A : memref<!tpu.dma_semaphore, #tpu.memory_space<semaphore_mem>>)
      %dma_wait3A = tpu.memref_slice %arg2[%mul3A_2] : memref<16384xi32, #tpu.memory_space<hbm>> -> memref<512xi32, #tpu.memory_space<hbm>>
      %dma_wait3A_8 = tpu.memref_slice %arg2[%mul3A_2] : memref<16384xi32, #tpu.memory_space<hbm>> -> memref<512xi32, #tpu.memory_space<hbm>>
      tpu.wait_dma2 semaphore(%run_scoped3A : memref<!tpu.dma_semaphore, #tpu.memory_space<semaphore_mem>>) src(%dma_wait3A_8 : memref<512xi32, #tpu.memory_space<hbm>>) dst(%arg10 : memref<512xi32, #tpu.memory_space<vmem>>)
      tpu.yield
    }) : () -> ()
    "tpu.region"() ({
      %run_scoped3A = tpu.sem_alloc : memref<!tpu.dma_semaphore, #tpu.memory_space<semaphore_mem>>
      %dma_start3A = tpu.memref_slice %arg3[%mul3A_2] : memref<16384xi32, #tpu.memory_space<hbm>> -> memref<512xi32, #tpu.memory_space<hbm>>
      %dma_start3A_7 = tpu.memref_slice %arg3[%mul3A_2] : memref<16384xi32, #tpu.memory_space<hbm>> -> memref<512xi32, #tpu.memory_space<hbm>>
      tpu.enqueue_dma source(%dma_start3A_7 : memref<512xi32, #tpu.memory_space<hbm>>) target(%arg11 : memref<512xi32, #tpu.memory_space<vmem>>) target_semaphore(%run_scoped3A : memref<!tpu.dma_semaphore, #tpu.memory_space<semaphore_mem>>)
      %dma_wait3A = tpu.memref_slice %arg3[%mul3A_2] : memref<16384xi32, #tpu.memory_space<hbm>> -> memref<512xi32, #tpu.memory_space<hbm>>
      %dma_wait3A_8 = tpu.memref_slice %arg3[%mul3A_2] : memref<16384xi32, #tpu.memory_space<hbm>> -> memref<512xi32, #tpu.memory_space<hbm>>
      tpu.wait_dma2 semaphore(%run_scoped3A : memref<!tpu.dma_semaphore, #tpu.memory_space<semaphore_mem>>) src(%dma_wait3A_8 : memref<512xi32, #tpu.memory_space<hbm>>) dst(%arg11 : memref<512xi32, #tpu.memory_space<vmem>>)
      tpu.yield
    }) : () -> ()
    "tpu.region"() ({
      %run_scoped3A = tpu.sem_alloc : memref<!tpu.dma_semaphore, #tpu.memory_space<semaphore_mem>>
      %dma_start3A = tpu.memref_slice %arg4[%mul3A_2] : memref<16384xi32, #tpu.memory_space<hbm>> -> memref<512xi32, #tpu.memory_space<hbm>>
      %dma_start3A_7 = tpu.memref_slice %arg4[%mul3A_2] : memref<16384xi32, #tpu.memory_space<hbm>> -> memref<512xi32, #tpu.memory_space<hbm>>
      tpu.enqueue_dma source(%dma_start3A_7 : memref<512xi32, #tpu.memory_space<hbm>>) target(%arg12 : memref<512xi32, #tpu.memory_space<vmem>>) target_semaphore(%run_scoped3A : memref<!tpu.dma_semaphore, #tpu.memory_space<semaphore_mem>>)
      %dma_wait3A = tpu.memref_slice %arg4[%mul3A_2] : memref<16384xi32, #tpu.memory_space<hbm>> -> memref<512xi32, #tpu.memory_space<hbm>>
      %dma_wait3A_8 = tpu.memref_slice %arg4[%mul3A_2] : memref<16384xi32, #tpu.memory_space<hbm>> -> memref<512xi32, #tpu.memory_space<hbm>>
      tpu.wait_dma2 semaphore(%run_scoped3A : memref<!tpu.dma_semaphore, #tpu.memory_space<semaphore_mem>>) src(%dma_wait3A_8 : memref<512xi32, #tpu.memory_space<hbm>>) dst(%arg12 : memref<512xi32, #tpu.memory_space<vmem>>)
      tpu.yield
    }) : () -> ()
    "tpu.region"() ({
      %run_scoped3A = tpu.sem_alloc : memref<!tpu.dma_semaphore, #tpu.memory_space<semaphore_mem>>
      %dma_start3A = tpu.memref_slice %arg5[%mul3A_2] : memref<16384xi32, #tpu.memory_space<hbm>> -> memref<512xi32, #tpu.memory_space<hbm>>
      %dma_start3A_7 = tpu.memref_slice %arg5[%mul3A_2] : memref<16384xi32, #tpu.memory_space<hbm>> -> memref<512xi32, #tpu.memory_space<hbm>>
      tpu.enqueue_dma source(%dma_start3A_7 : memref<512xi32, #tpu.memory_space<hbm>>) target(%arg13 : memref<512xi32, #tpu.memory_space<vmem>>) target_semaphore(%run_scoped3A : memref<!tpu.dma_semaphore, #tpu.memory_space<semaphore_mem>>)
      %dma_wait3A = tpu.memref_slice %arg5[%mul3A_2] : memref<16384xi32, #tpu.memory_space<hbm>> -> memref<512xi32, #tpu.memory_space<hbm>>
      %dma_wait3A_8 = tpu.memref_slice %arg5[%mul3A_2] : memref<16384xi32, #tpu.memory_space<hbm>> -> memref<512xi32, #tpu.memory_space<hbm>>
      tpu.wait_dma2 semaphore(%run_scoped3A : memref<!tpu.dma_semaphore, #tpu.memory_space<semaphore_mem>>) src(%dma_wait3A_8 : memref<512xi32, #tpu.memory_space<hbm>>) dst(%arg13 : memref<512xi32, #tpu.memory_space<vmem>>)
      tpu.yield
    }) : () -> ()
    "tpu.region"() ({
      %run_scoped3A = tpu.sem_alloc : memref<!tpu.dma_semaphore, #tpu.memory_space<semaphore_mem>>
      %dma_start3A = tpu.memref_slice %arg6[%mul3A_2] : memref<16384xi32, #tpu.memory_space<hbm>> -> memref<512xi32, #tpu.memory_space<hbm>>
      %dma_start3A_7 = tpu.memref_slice %arg6[%mul3A_2] : memref<16384xi32, #tpu.memory_space<hbm>> -> memref<512xi32, #tpu.memory_space<hbm>>
      tpu.enqueue_dma source(%dma_start3A_7 : memref<512xi32, #tpu.memory_space<hbm>>) target(%arg14 : memref<512xi32, #tpu.memory_space<vmem>>) target_semaphore(%run_scoped3A : memref<!tpu.dma_semaphore, #tpu.memory_space<semaphore_mem>>)
      %dma_wait3A = tpu.memref_slice %arg6[%mul3A_2] : memref<16384xi32, #tpu.memory_space<hbm>> -> memref<512xi32, #tpu.memory_space<hbm>>
      %dma_wait3A_8 = tpu.memref_slice %arg6[%mul3A_2] : memref<16384xi32, #tpu.memory_space<hbm>> -> memref<512xi32, #tpu.memory_space<hbm>>
      tpu.wait_dma2 semaphore(%run_scoped3A : memref<!tpu.dma_semaphore, #tpu.memory_space<semaphore_mem>>) src(%dma_wait3A_8 : memref<512xi32, #tpu.memory_space<hbm>>) dst(%arg14 : memref<512xi32, #tpu.memory_space<vmem>>)
      tpu.yield
    }) : () -> ()
    "tpu.region"() ({
      %run_scoped3A = tpu.sem_alloc : memref<!tpu.dma_semaphore, #tpu.memory_space<semaphore_mem>>
      tpu.enqueue_dma source(%arg8 : memref<3x64xf32, #tpu.memory_space<hbm>>) target(%arg17 : memref<3x64xf32, #tpu.memory_space<vmem>>) target_semaphore(%run_scoped3A : memref<!tpu.dma_semaphore, #tpu.memory_space<semaphore_mem>>)
      tpu.wait_dma2 semaphore(%run_scoped3A : memref<!tpu.dma_semaphore, #tpu.memory_space<semaphore_mem>>) src(%arg8 : memref<3x64xf32, #tpu.memory_space<hbm>>) dst(%arg17 : memref<3x64xf32, #tpu.memory_space<vmem>>)
      tpu.yield
    }) : () -> ()
    %iota3A = tpu.iota {dimensions = array<i32: 0>} : vector<16xi32>
    %scan3A = arith.constant 0 : i32
    %scan3A_3 = arith.constant 4 : i32
    %scan3A_4 = arith.addi %scan3A, %scan3A_3 : i32
    %scan3A_5 = arith.constant 1 : i32
    scf.for %scan3A_7 = %scan3A to %scan3A_4 step %scan3A_5  : i32 {
      %mul3A_8 = arith.constant 128 : i32
      %mul3A_9 = arith.muli %scan3A_7, %mul3A_8 : i32
      %add3A_10 = arith.constant 0 : i32
      %add3A_11 = arith.addi %add3A_10, %mul3A_9 : i32
      %dma_start3A = tpu.memref_slice %arg10[%add3A_11] : memref<512xi32, #tpu.memory_space<vmem>> -> memref<128xi32, #tpu.memory_space<vmem>>
      %dma_start3A_12 = arith.constant 0 : i32
      %dma_start3A_13 = arith.constant 0 : i32
      %dma_start3A_14 = tpu.memref_slice %arg7[%dma_start3A_12, %dma_start3A_13] : memref<500000x128xf32, #tpu.memory_space<hbm>> -> memref<500000x128xf32, #tpu.memory_space<hbm>>
      tpu.enqueue_indirect_dma source(%dma_start3A_14 : memref<500000x128xf32, #tpu.memory_space<hbm>>) target(%arg15 : memref<128x128xf32, #tpu.memory_space<vmem>>) offsets(%dma_start3A : memref<128xi32, #tpu.memory_space<vmem>>) semaphore(%arg19 : memref<!tpu.dma_semaphore, #tpu.memory_space<semaphore_mem>>)
      %dma_start3A_15 = tpu.memref_slice %arg13[%add3A_11] : memref<512xi32, #tpu.memory_space<vmem>> -> memref<128xi32, #tpu.memory_space<vmem>>
      %dma_start3A_16 = arith.constant 0 : i32
      %dma_start3A_17 = arith.constant 0 : i32
      %dma_start3A_18 = tpu.memref_slice %arg7[%dma_start3A_16, %dma_start3A_17] : memref<500000x128xf32, #tpu.memory_space<hbm>> -> memref<500000x128xf32, #tpu.memory_space<hbm>>
      tpu.enqueue_indirect_dma source(%dma_start3A_18 : memref<500000x128xf32, #tpu.memory_space<hbm>>) target(%arg16 : memref<128x128xf32, #tpu.memory_space<vmem>>) offsets(%dma_start3A_15 : memref<128xi32, #tpu.memory_space<vmem>>) semaphore(%arg20 : memref<!tpu.dma_semaphore, #tpu.memory_space<semaphore_mem>>)
      %dma_wait3A = tpu.memref_slice %arg10[%add3A_11] : memref<512xi32, #tpu.memory_space<vmem>> -> memref<128xi32, #tpu.memory_space<vmem>>
      %dma_wait3A_19 = arith.constant 0 : i32
      %dma_wait3A_20 = arith.constant 0 : i32
      %dma_wait3A_21 = tpu.memref_slice %arg7[%dma_wait3A_19, %dma_wait3A_20] : memref<500000x128xf32, #tpu.memory_space<hbm>> -> memref<500000x128xf32, #tpu.memory_space<hbm>>
      tpu.wait_indirect_dma semaphore(%arg19 : memref<!tpu.dma_semaphore, #tpu.memory_space<semaphore_mem>>) src(%dma_wait3A_21 : memref<500000x128xf32, #tpu.memory_space<hbm>>) dst(%arg15 : memref<128x128xf32, #tpu.memory_space<vmem>>)
      %dma_wait3A_22 = tpu.memref_slice %arg13[%add3A_11] : memref<512xi32, #tpu.memory_space<vmem>> -> memref<128xi32, #tpu.memory_space<vmem>>
      %dma_wait3A_23 = arith.constant 0 : i32
      %dma_wait3A_24 = arith.constant 0 : i32
      %dma_wait3A_25 = tpu.memref_slice %arg7[%dma_wait3A_23, %dma_wait3A_24] : memref<500000x128xf32, #tpu.memory_space<hbm>> -> memref<500000x128xf32, #tpu.memory_space<hbm>>
      tpu.wait_indirect_dma semaphore(%arg20 : memref<!tpu.dma_semaphore, #tpu.memory_space<semaphore_mem>>) src(%dma_wait3A_25 : memref<500000x128xf32, #tpu.memory_space<hbm>>) dst(%arg16 : memref<128x128xf32, #tpu.memory_space<vmem>>)
      %scan3A_26 = arith.constant 0 : i32
      %scan3A_27 = arith.constant 128 : i32
      %scan3A_28 = arith.addi %scan3A_26, %scan3A_27 : i32
      %scan3A_29 = arith.constant 1 : i32
      scf.for %scan3A_32 = %scan3A_26 to %scan3A_28 step %scan3A_29  : i32 {
        %mul3A_33 = arith.constant 1 : i32
        %mul3A_34 = arith.muli %scan3A_32, %mul3A_33 : i32
        %add3A_35 = arith.constant 0 : i32
        %add3A_36 = arith.addi %add3A_35, %mul3A_34 : i32
        %add3A_37 = arith.addi %add3A_11, %add3A_36 : i32
        %broadcast_in_dim3A = vector.broadcast %add3A_37 : i32 to vector<16xi32>
        %broadcast_in_dim3A_38 = vector.broadcast %add3A_36 : i32 to vector<16xi32>
        %gather3A = tpu.vector_load_idx %arg11[%broadcast_in_dim3A] : memref<512xi32, #tpu.memory_space<vmem>>[vector<16xi32>], vector<16xi32>,
        %gather3A_39 = tpu.vector_load_idx %arg14[%broadcast_in_dim3A] : memref<512xi32, #tpu.memory_space<vmem>>[vector<16xi32>], vector<16xi32>,
        %gather3A_40 = tpu.vector_load_idx %arg12[%broadcast_in_dim3A] : memref<512xi32, #tpu.memory_space<vmem>>[vector<16xi32>], vector<16xi32>,
        %add3A_41 = arith.constant 0 : i32
        %add3A_42 = vector.broadcast %add3A_41 : i32 to vector<16xi32>
        %add3A_43 = arith.addi %iota3A, %add3A_42 : vector<16xi32>
        %add3A_44 = arith.addi %gather3A, %add3A_43 : vector<16xi32>
        %gather3A_45 = tpu.vector_load_idx %arg15[%broadcast_in_dim3A_38, %add3A_44] : memref<128x128xf32, #tpu.memory_space<vmem>>[vector<16xi32>, vector<16xi32>], vector<16xf32>,
        %add3A_46 = arith.addi %gather3A_39, %add3A_43 : vector<16xi32>
        %gather3A_47 = tpu.vector_load_idx %arg16[%broadcast_in_dim3A_38, %add3A_46] : memref<128x128xf32, #tpu.memory_space<vmem>>[vector<16xi32>, vector<16xi32>], vector<16xf32>,
        %gather3A_48 = tpu.vector_load_idx %arg17[%gather3A_40, %add3A_43] : memref<3x64xf32, #tpu.memory_space<vmem>>[vector<16xi32>, vector<16xi32>], vector<16xf32>,
        %add3A_49 = arith.addf %gather3A_45, %gather3A_48 : vector<16xf32>
        %sub3A = arith.subf %add3A_49, %gather3A_47 : vector<16xf32>
        %swap3A = arith.index_cast %add3A_36 : i32 to index
        %swap3A_50 = arith.constant 0 : index
        %swap3A_51 = tpu.vector_load %arg18[%swap3A, %swap3A_50] {strides = array<i32>} : memref<128x64xf32, #tpu.memory_space<vmem>>, vector<16xf32>,
        tpu.vector_store %arg18[%swap3A, %swap3A_50], %sub3A {strides = array<i32>} : memref<128x64xf32, #tpu.memory_space<vmem>>, vector<16xf32>,
        %add3A_52 = arith.constant 16 : i32
        %add3A_53 = vector.broadcast %add3A_52 : i32 to vector<16xi32>
        %add3A_54 = arith.addi %iota3A, %add3A_53 : vector<16xi32>
        %add3A_55 = arith.addi %gather3A, %add3A_54 : vector<16xi32>
        %gather3A_56 = tpu.vector_load_idx %arg15[%broadcast_in_dim3A_38, %add3A_55] : memref<128x128xf32, #tpu.memory_space<vmem>>[vector<16xi32>, vector<16xi32>], vector<16xf32>,
        %add3A_57 = arith.addi %gather3A_39, %add3A_54 : vector<16xi32>
        %gather3A_58 = tpu.vector_load_idx %arg16[%broadcast_in_dim3A_38, %add3A_57] : memref<128x128xf32, #tpu.memory_space<vmem>>[vector<16xi32>, vector<16xi32>], vector<16xf32>,
        %gather3A_59 = tpu.vector_load_idx %arg17[%gather3A_40, %add3A_54] : memref<3x64xf32, #tpu.memory_space<vmem>>[vector<16xi32>, vector<16xi32>], vector<16xf32>,
        %add3A_60 = arith.addf %gather3A_56, %gather3A_59 : vector<16xf32>
        %sub3A_61 = arith.subf %add3A_60, %gather3A_58 : vector<16xf32>
        %swap3A_62 = arith.index_cast %add3A_36 : i32 to index
        %swap3A_63 = arith.constant 16 : index
        %swap3A_64 = tpu.vector_load %arg18[%swap3A_62, %swap3A_63] {strides = array<i32>} : memref<128x64xf32, #tpu.memory_space<vmem>>, vector<16xf32>,
        tpu.vector_store %arg18[%swap3A_62, %swap3A_63], %sub3A_61 {strides = array<i32>} : memref<128x64xf32, #tpu.memory_space<vmem>>, vector<16xf32>,
        %add3A_65 = arith.constant 32 : i32
        %add3A_66 = vector.broadcast %add3A_65 : i32 to vector<16xi32>
        %add3A_67 = arith.addi %iota3A, %add3A_66 : vector<16xi32>
        %add3A_68 = arith.addi %gather3A, %add3A_67 : vector<16xi32>
        %gather3A_69 = tpu.vector_load_idx %arg15[%broadcast_in_dim3A_38, %add3A_68] : memref<128x128xf32, #tpu.memory_space<vmem>>[vector<16xi32>, vector<16xi32>], vector<16xf32>,
        %add3A_70 = arith.addi %gather3A_39, %add3A_67 : vector<16xi32>
        %gather3A_71 = tpu.vector_load_idx %arg16[%broadcast_in_dim3A_38, %add3A_70] : memref<128x128xf32, #tpu.memory_space<vmem>>[vector<16xi32>, vector<16xi32>], vector<16xf32>,
        %gather3A_72 = tpu.vector_load_idx %arg17[%gather3A_40, %add3A_67] : memref<3x64xf32, #tpu.memory_space<vmem>>[vector<16xi32>, vector<16xi32>], vector<16xf32>,
        %add3A_73 = arith.addf %gather3A_69, %gather3A_72 : vector<16xf32>
        %sub3A_74 = arith.subf %add3A_73, %gather3A_71 : vector<16xf32>
        %swap3A_75 = arith.index_cast %add3A_36 : i32 to index
        %swap3A_76 = arith.constant 32 : index
        %swap3A_77 = tpu.vector_load %arg18[%swap3A_75, %swap3A_76] {strides = array<i32>} : memref<128x64xf32, #tpu.memory_space<vmem>>, vector<16xf32>,
        tpu.vector_store %arg18[%swap3A_75, %swap3A_76], %sub3A_74 {strides = array<i32>} : memref<128x64xf32, #tpu.memory_space<vmem>>, vector<16xf32>,
        %add3A_78 = arith.constant 48 : i32
        %add3A_79 = vector.broadcast %add3A_78 : i32 to vector<16xi32>
        %add3A_80 = arith.addi %iota3A, %add3A_79 : vector<16xi32>
        %add3A_81 = arith.addi %gather3A, %add3A_80 : vector<16xi32>
        %gather3A_82 = tpu.vector_load_idx %arg15[%broadcast_in_dim3A_38, %add3A_81] : memref<128x128xf32, #tpu.memory_space<vmem>>[vector<16xi32>, vector<16xi32>], vector<16xf32>,
        %add3A_83 = arith.addi %gather3A_39, %add3A_80 : vector<16xi32>
        %gather3A_84 = tpu.vector_load_idx %arg16[%broadcast_in_dim3A_38, %add3A_83] : memref<128x128xf32, #tpu.memory_space<vmem>>[vector<16xi32>, vector<16xi32>], vector<16xf32>,
        %gather3A_85 = tpu.vector_load_idx %arg17[%gather3A_40, %add3A_80] : memref<3x64xf32, #tpu.memory_space<vmem>>[vector<16xi32>, vector<16xi32>], vector<16xf32>,
        %add3A_86 = arith.addf %gather3A_82, %gather3A_85 : vector<16xf32>
        %sub3A_87 = arith.subf %add3A_86, %gather3A_84 : vector<16xf32>
        %swap3A_88 = arith.index_cast %add3A_36 : i32 to index
        %swap3A_89 = arith.constant 48 : index
        %swap3A_90 = tpu.vector_load %arg18[%swap3A_88, %swap3A_89] {strides = array<i32>} : memref<128x64xf32, #tpu.memory_space<vmem>>, vector<16xf32>,
        tpu.vector_store %arg18[%swap3A_88, %swap3A_89], %sub3A_87 {strides = array<i32>} : memref<128x64xf32, #tpu.memory_space<vmem>>, vector<16xf32>,
      }
      %scan3A_30 = arith.constant 128 : i32
      %add3A_31 = arith.addi %mul3A_2, %add3A_11 : i32
      "tpu.region"() ({
        %run_scoped3A = tpu.sem_alloc : memref<!tpu.dma_semaphore, #tpu.memory_space<semaphore_mem>>
        %dma_start3A_32 = arith.constant 0 : i32
        %dma_start3A_33 = tpu.memref_slice %arg9[%add3A_31, %dma_start3A_32] : memref<16384x64xf32, #tpu.memory_space<hbm>> -> memref<128x64xf32, #tpu.memory_space<hbm>>
        %dma_start3A_34 = arith.constant 0 : i32
        %dma_start3A_35 = tpu.memref_slice %arg9[%add3A_31, %dma_start3A_34] : memref<16384x64xf32, #tpu.memory_space<hbm>> -> memref<128x64xf32, #tpu.memory_space<hbm>>
        tpu.enqueue_dma source(%arg18 : memref<128x64xf32, #tpu.memory_space<vmem>>) target(%dma_start3A_35 : memref<128x64xf32, #tpu.memory_space<hbm>>) target_semaphore(%run_scoped3A : memref<!tpu.dma_semaphore, #tpu.memory_space<semaphore_mem>>)
        %dma_wait3A_36 = arith.constant 0 : i32
        %dma_wait3A_37 = tpu.memref_slice %arg9[%add3A_31, %dma_wait3A_36] : memref<16384x64xf32, #tpu.memory_space<hbm>> -> memref<128x64xf32, #tpu.memory_space<hbm>>
        %dma_wait3A_38 = arith.constant 0 : i32
        %dma_wait3A_39 = tpu.memref_slice %arg9[%add3A_31, %dma_wait3A_38] : memref<16384x64xf32, #tpu.memory_space<hbm>> -> memref<128x64xf32, #tpu.memory_space<hbm>>
        tpu.wait_dma2 semaphore(%run_scoped3A : memref<!tpu.dma_semaphore, #tpu.memory_space<semaphore_mem>>) src(%arg18 : memref<128x64xf32, #tpu.memory_space<vmem>>) dst(%dma_wait3A_39 : memref<128x64xf32, #tpu.memory_space<hbm>>)
        tpu.yield
      }) : () -> ()
    }
    %scan3A_6 = arith.constant 4 : i32
    return
  }
}

</mosaic_0001>

<sc_bundles>
// kernel: kernel.3.cloned.1.call-start
scs
__scs_entry_jumppad:
0x0: {  	(pc) =	sbr.rel $0x88, $3  }
0x1: {  	(tag) =	ssettag $0x0;
	lr =	simm.s32 $0x1  }
0x2: {  	[smem:$0x3F9C] =	sst lr;
	_ =	strace $0xD0000000  }
0x3: {  	_ = 	snop  }
0x4: {  	_ = 	snop  }
0x5: {  	_ = 	snop  }
0x6: {  	_ = 	snop  }
0x7: {  	_ = 	snop  }
__scs_overlays_trampoline_lowered:
0x8: {  	[smem:$0x3FAB] =	sst s0  }
0x9: {  	[smem:$0x3FAC] =	sst s1  }
0xa: {  	[smem:$0x3FAD] =	sst s2  }
0xb: {  	[smem:$0x3FAE] =	sst s3  }
0xc: {  	[smem:$0x3FAF] =	sst s4  }
0xd: {  	[smem:$0x3FB0] =	sst s5  }
0xe: {  	[smem:$0x3FB1] =	sst s6  }
0xf: {  	[smem:$0x3FB2] =	sst s7  }
0x10: {  	[smem:$0x3FB3] =	sst s8  }
0x11: {  	[smem:$0x3FB4] =	sst s9;
	s0 =	simm.s32 @!p0 $0x0  }
0x12: {  	s1 =	sld [smem:$0x3F9A];
	s0 =	simm.s32 @p0 $0x1  }
0x13: {  	[smem:$0x3FB5] =	sst s0;
	s0 =	simm.s32 @!p1 $0x0  }
0x14: {  	s2 =	sld [smem:$0x3F99];
	s0 =	simm.s32 @p1 $0x1  }
0x15: {  	[smem:$0x3FB6] =	sst s0;
	s0 =	simm.s32 @!p2 $0x0  }
0x16: {  	s3 =	sld [smem:$0x3FDB];
	s0 =	simm.s32 @p2 $0x1  }
0x17: {  	s4 =	simm.s32 $0x1BF5;
	[smem:$0x3FB8] =	sst s0  }
0x18: {  	s0 =	sld [smem:$0x3F9B];
	_ =	swait.ge [sflag:s4], $0x0  }
0x19: {  	s7 =	sld [smem:$0x3F9C]  }
0x1a: {  	s8 =	sadd.s32 $0xFFFFE003, lr  }
0x1b: {  	s9 =	sadd.s32 $0xFFFFFEF7, lr;
	s5 =	simm.s32 $0xFFFFFFFF;
	p2 =	slt.u32 s8, $0xFFFFF086  }
0x1c: {  	p1 =	slt.u32 s9, $0xF7A;
	s5 =	simm.s32 @!p2 $0x0  }
0x1d: {  	s5 =	simm.s32 @p1 $0x1;
	p0 =	seq.s32 s7, s2  }
0x1e: {  	s7 =	smul.u32 @!p0 $0xF7A, s2;
	p2 =	seq.s32 @!p0 s5, $0x0  }
0x1f: {  	s9 =	smul.u32 $0xF7A, s1;
	s8 =	simm.s32 @!p0 $0x1BF5;
	p2 =	por !p2, p0  }
0x20: {  	[sflag:s8] =	ssyncset.s32 @!p0 $0xFFFFF086;
	s6 =	sadd.s32 @!p0 s3, s7;
	s7 =	simm.s32 @!p0 $0x108  }
0x21: {  	s3 =	sadd.s32 s3, s9;
	s6 =	sadd.s32 @!p0 $0x88, s6;
	s7 =	simm.s32 @p2 $0x1082  }
0x22: {  	[simem:s7], [sflag:s8] =	dma.local @!p0 [hbm:s6], $0xF7A  }
0x23: {  	s9 =	sor.u32 $0xD0000000, s2;
	s6 =	simm.s32 $0x108;
	_ =	swait.ge @!p0 [sflag:s8], $0x0  }
0x24: {  	s3 =	sadd.s32 $0x88, s3;
	s6 =	simm.s32 @!p1 $0x1082;
	[sflag:s4] =	ssyncset.s32 $0xFFFFF086  }
0x25: {  	[simem:s6], [sflag:s4] =	dma.local [hbm:s3], $0xF7A  }
0x26: {  	[smem:$0x3F9C] =	sst s1;
	(tag) =	ssettag s2;
	_ =	strace s9  }
0x27: {  	s1 =	sld [smem:$0x3FAC]  }
0x28: {  	s2 =	sld [smem:$0x3FAD]  }
0x29: {  	s4 =	sld [smem:$0x3FAF]  }
0x2a: {  	p0 =	seq.s32 s5, $0x0;
	s5 =	sld [smem:$0x3FB0]  }
0x2b: {  	s6 =	sld [smem:$0x3FB1]  }
0x2c: {  	s7 =	sld [smem:$0x3FB2]  }
0x2d: {  	s3 =	simm.s32 $0x108;
	s8 =	sld [smem:$0x3FB3]  }
0x2e: {  	s3 =	simm.s32 @!p0 $0x1082;
	s9 =	sld [smem:$0x3FB4]  }
0x2f: {  	lr =	sadd.s32 s0, s3;
	s0 =	sld [smem:$0x3FAB]  }
0x30: {  	s3 =	sld [smem:$0x3FAE]  }
0x31: {  	[smem:$0x3FB7] =	sst s10  }
0x32: {  	s10 =	sld [smem:$0x3FB5];
	_ =	sdelay $0x3  }
0x33: {  	p0 =	seq.s32 s10, $0x1;
	s10 =	sld [smem:$0x3FB7];
	_ =	sdelay $0x3  }
0x34: {  	[smem:$0x3FB7] =	sst s10  }
0x35: {  	s10 =	sld [smem:$0x3FB6];
	_ =	sdelay $0x3  }
0x36: {  	p1 =	seq.s32 s10, $0x1;
	s10 =	sld [smem:$0x3FB7];
	_ =	sdelay $0x3  }
0x37: {  	[smem:$0x3FB7] =	sst s10  }
0x38: {  	s10 =	sld [smem:$0x3FB8]  }
0x39: {  	_ = 	snop;
	(pc) =	sbr.ind lr, $3  }
0x3a: {  	_ = 	snop  }
0x3b: {  	_ = 	snop  }
0x3c: {  	p2 =	seq.s32 s10, $0x1;
	s10 =	sld [smem:$0x3FB7]  }
0x3d: {  	_ =	shalt  }
0x3e: {  	_ =	shalt  }
0x3f: {  	_ =	shalt  }
0x40: {  	_ =	shalt  }
0x41: {  	_ =	shalt  }
0x42: {  	_ =	shalt  }
0x43: {  	_ =	shalt  }
0x44: {  	_ =	shalt  }
0x45: {  	_ =	shalt  }
0x46: {  	_ =	shalt  }
0x47: {  	_ =	shalt  }
0x48: {  	_ =	shalt  }
0x49: {  	_ =	shalt  }
0x4a: {  	_ =	shalt  }
0x4b: {  	_ =	shalt  }
0x4c: {  	_ =	shalt  }
0x4d: {  	_ =	shalt  }
0x4e: {  	_ =	shalt  }
0x4f: {  	_ =	shalt  }
0x50: {  	_ =	shalt  }
0x51: {  	_ =	shalt  }
0x52: {  	_ =	shalt  }
0x53: {  	_ =	shalt  }
0x54: {  	_ =	shalt  }
0x55: {  	_ =	shalt  }
0x56: {  	_ =	shalt  }
0x57: {  	_ =	shalt  }
0x58: {  	_ =	shalt  }
0x59: {  	_ =	shalt  }
0x5a: {  	_ =	shalt  }
0x5b: {  	_ =	shalt  }
0x5c: {  	_ =	shalt  }
0x5d: {  	_ =	shalt  }
0x5e: {  	_ =	shalt  }
0x5f: {  	_ =	shalt  }
0x60: {  	_ =	shalt  }
0x61: {  	_ =	shalt  }
0x62: {  	_ =	shalt  }
0x63: {  	_ =	shalt  }
0x64: {  	_ =	shalt  }
0x65: {  	_ =	shalt  }
0x66: {  	_ =	shalt  }
0x67: {  	_ =	shalt  }
0x68: {  	_ =	shalt  }
0x69: {  	_ =	shalt  }
0x6a: {  	_ =	shalt  }
0x6b: {  	_ =	shalt  }
0x6c: {  	_ =	shalt  }
0x6d: {  	_ =	shalt  }
0x6e: {  	_ =	shalt  }
0x6f: {  	_ =	shalt  }
0x70: {  	_ =	shalt  }
0x71: {  	_ =	shalt  }
0x72: {  	_ =	shalt  }
0x73: {  	_ =	shalt  }
0x74: {  	_ =	shalt  }
0x75: {  	_ =	shalt  }
0x76: {  	_ =	shalt  }
0x77: {  	_ =	shalt  }
0x78: {  	_ =	shalt  }
0x79: {  	_ =	shalt  }
0x7a: {  	_ =	shalt  }
0x7b: {  	_ =	shalt  }
0x7c: {  	_ =	shalt  }
0x7d: {  	_ =	shalt  }
0x7e: {  	_ =	shalt  }
0x7f: {  	_ =	shalt  }
0x80: {  	_ =	shalt  }
0x81: {  	_ =	shalt  }
0x82: {  	_ =	shalt  }
0x83: {  	_ =	shalt  }
0x84: {  	_ =	shalt  }
0x85: {  	_ =	shalt  }
0x86: {  	_ =	shalt  }
0x87: {  	_ =	shalt  }
.Lfunc_end0:
.L_simem_size_0:
called_computation.1_lowered:
.L_overlay_start_0:
0x88: {  	s2 =	sld [smem:$0x3FD9]  }
0x89: {  	s3 =	sld [smem:$0x3FFE];
	_ =	sdelay $0x1  }
0x8a: {  	s1 =	srdreg.scid  }
0x8b: {  	s0 =	sand.u32 $0x1, s1  }
0x8c: {  	s17 =	sshll.u32 s0, $0xA;
	s2 =	sadd.s32 s3, s2  }
0x8d: {  	s2 =	sadd.s32 s2, s17  }
0x8e: {  	[smem:$0x3FC3] =	sst s2  }
0x8f: {  	_ = 	snop  }
0x90: {  	s2 =	sld [smem:$0x3FC8]  }
0x91: {  	s18 =	sld [smem:$0x3FC5]  }
0x92: {  	s4 =	sld [smem:$0x3FD0];
	(tm) =	ssettm $0x1  }
0x93: {  	s5 =	sld [smem:$0x3FFB];
	_ =	sdelay $0x3  }
0x94: {  	_ =	strace s5  }
0x95: {  	s5 =	sld [smem:$0x3FFC];
	_ =	sdelay $0x3  }
0x96: {  	_ =	strace s5  }
0x97: {  	s5 =	sld [smem:$0x3FFD];
	_ =	sdelay $0x3  }
0x98: {  	_ =	strace s5  }
0x99: {  	_ =	strace $0x8FFFFFFF  }
0x9a: {  	s19 =	sld [smem:$0x3FDB];
	_ =	sdelay $0x1  }
0x9b: {  	s6 =	simm.s32 $_scs_section_size  }
0x9c: {  	s7 =	simm.s32 $_size__tile_overlayer_lowered;
	s8 =	simm.s32 $_tile_overlayer_lowered  }
0x9d: {  	s22 =	simm.s32 $0x1BFF;
	s21 =	sshll.u32 s8, $0x1;
	s5 =	sadd.s32 s6, s19  }
0x9e: {  	s9 =	simm.s32 $0x0;
	s20 =	sshll.u32 s7, $0x1;
	s7 =	sadd.s32 s21, s5  }
0x9f: {  	[timem:s9], [sflag:s22] =	dma.local [hbm:s7], s20  }
0xa0: {  	_ =	swait.ge [sflag:s22], s20  }
0xa1: {  	s6 =	ssub.s32 $0x0, s20;
	[sflag:s22] =	ssyncset.done $0x0  }
0xa2: {  	[sflag:s22] =	ssyncadd.s32 s6;
	_ =	sdelay $0x1  }
0xa3: {  	s23 =	simm.s32 $0x1B8B  }
0xa4: {  	_ =	swait.ge [sflag:s23], $0x1  }
0xa5: {  	[sflag:s23] =	ssyncset.done $0x0  }
0xa6: {  	s25 =	simm.s32 $0x1B8E;
	s24 =	sld [smem:$0x3FFE];
	[sflag:s23] =	ssyncadd.s32 $0xFFFFFFFF  }
0xa7: {  	s26 =	simm.s32 $execute0_lowered;
	[smem:$0x3FD2] =	sst s25  }
0xa8: {  	s7 =	sshll.u32 s26, $0x1;
	_ =	strace $0x80000049;
	[dreg:$0x1] =	wrdreg $0xFFFFFFFF  }
0xa9: {  	s28 =	simm.s32 $_size_execute0_lowered;
	s5 =	sadd.s32 s5, s7;
	[dreg:$0x0] =	wrdreg $0x0  }
0xaa: {  	s7 =	sshll.u32 s28, $0x1;
	[dreg:$0x2] =	wrdreg s5  }
0xab: {  	[dreg:$0x3] =	wrdreg s7  }
0xac: {  	[dreg:$0x4] =	wrdreg $0xC0  }
0xad: {  	_ =	task [dreg:s9], $0x5FFFF  }
0xae: {  	[dreg:$0x1] =	wrdreg $0xFFFFFFFF  }
0xaf: {  	[dreg:$0x0] =	wrdreg $0x60  }
0xb0: {  	[dreg:$0x2] =	wrdreg s24  }
0xb1: {  	[dreg:$0x3] =	wrdreg s2  }
0xb2: {  	[dreg:$0x4] =	wrdreg s4  }
0xb3: {  	[dreg:$0x5] =	wrdreg s18  }
0xb4: {  	[dreg:$0x6] =	wrdreg $0x9  }
0xb5: {  	_ =	task.clear_ibuf [dreg:s9], $0x7FFFF;
	_ =	strace $0x90000049  }
0xb6: {  	s29 =	simm.s32 $0x9;
	_ =	strace $0x8000004B  }
0xb7: {  	_ =	swait.ge [sflag:s29], $0x1  }
0xb8: {  	[sflag:s29] =	ssyncadd.s32 $0xFFFFFFFF  }
0xb9: {  	_ =	strace $0x9000004B  }
0xba: {  	_ =	sfence  }
0xbb: {  	s30 =	sld [smem:$0x0];
	_ =	sdelay $0x2  }
0xbc: {  	s31 =	sshll.u32 s1, $0xD;
	s1 =	sshrl.u32 s1, $0x2  }
0xbd: {  	s3 =	sand.u32 $0x4000, s31;
	s1 =	sadd.s32 s1, s30  }
0xbe: {  	s0 =	sor.u32 s3, s0;
	s1 =	sshll.u32 s1, $0x11  }
0xbf: {  	s0 =	sor.u32 s1, s0  }
0xc0: {  	s0 =	sadd.s32 $0x8F2B, s0  }
0xc1: {  	[sflag:s0] =	ssyncadd.remote.s32 $0x1  }
0xc2: {  	_ =	sfence.sel $0xFFFF  }
0xc3: {  	[dreg:$0x0] =	wrdreg $0xFFFFFFFF;
	(pc) =	sbr.abs _section_cstart, $3  }
0xc4: {  	[dreg:$0x1] =	wrdreg $0xFFFFFFFF  }
0xc5: {  	_ =	task.clear_ibuf [dreg:s9], $0x2FFFF;
	_ =	strace $0x9FFFFFFF  }
0xc6: {  	(tm) =	ssettm $0x7FFFFFFF  }
0xc7: {  	_ =	shalt  }
tec
execute0_lowered:
.L_overlay_start_1:
0x0: {  	(tag) =	ssettag $0x1  }
0x1: {  	s0 =	rddreg [dreg:$0x0]  }
0x2: {  	s1 =	rddreg [dreg:$0x1]  }
0x3: {  	s11 =	rddreg [dreg:$0x2];
	s3 =	srdreg.scid  }
0x4: {  	s2 =	stileid.u32;
	s13 =	simm.s32 $0x3;
	s14 =	simm.s32 $0x200  }
0x5: {  	s15 =	simm.s32 $0x400;
	s17 =	simm.s32 $0x800;
	s18 =	simm.s32 $0x8A00  }
0x6: {  	s19 =	simm.s32 $0x80;
	s20 =	simm.s32 $0xA00;
	s21 =	simm.s32 $0x4A00  }
0x7: {  	s22 =	simm.s32 $0x1;
	s23 =	simm.s32 $0x2;
	s24 =	simm.s32 $0x8C00  }
0x8: {  	s25 =	simm.s32 $0x0;
	s5 =	sand.u32 $0x1, s3;
	s3 =	simm.s32 $0x0  }
0x9: {  	s4 =	sshll.u32 s2, $0xA;
	s6 =	sshll.u32 s5, $0x9;
	[smem:$0x7FF] =	sst s3  }
0xa: {  	s7 =	ssub.s32 $0x2, s5;
	s5 =	sadd.s32 $0xF44A00, s0;
	s4 =	sor.u32 s6, s4  }
0xb: {  	_ =	strace $0x8000004A;
	s8 =	sshrl.u32 s7, $0x1;
	s12 =	sshrl.u32 s4, $0x3  }
0xc: {  	v0 =	vlaneseq.u32;
	s6 =	sadd.s32 $0xE00, s0;
	s31 =	ssub.s32 s7, s8;
	s10 =	sadd.s32 s12, s0  }
0xd: {  	v1 =	vor.u32 $0x10, v0;
	s9 =	sadd.s32 s1, s12;
	s11 =	sadd.s32 s11, s12;
	s7 =	sadd.s32 $0xF43A00, s10  }
0xe: {  	v2 =	vor.u32 $0x20, v0;
	v3 =	vor.u32 $0x30, v0;
	s12 =	smax.u32 s31, $0x1;
	s8 =	sadd.s32 $0xF44200, s10;
	s10 =	sadd.s32 $0xF43200, s10  }
.LBB2_1:
0xf: {  	[tilespmem:s3], [sflag:$0x3] =	stream.linear.gather [hbm4b:s7+s3], $0x200, $0x38;
	[tilespmem:$0xCC00] =	vst v63  }
0x10: {  	_ =	swait.ge [sflag:s13], $0x200  }
0x11: {  	[sflag:s13] =	ssyncset.done $0x0  }
0x12: {  	[sflag:s13] =	ssyncadd.s32 $0xFFFFFE00  }
0x13: {  	[tilespmem:s14], [sflag:$0x3] =	stream.linear.gather [hbm4b:s8+s3], $0x200, $0x38;
	[tilespmem:$0xCC00] =	vst v63  }
0x14: {  	_ =	swait.ge [sflag:s13], $0x200  }
0x15: {  	[sflag:s13] =	ssyncset.done $0x0  }
0x16: {  	[sflag:s13] =	ssyncadd.s32 $0xFFFFFE00  }
0x17: {  	[tilespmem:s15], [sflag:$0x3] =	stream.linear.gather [hbm4b:s9+s3], $0x200, $0x38;
	[tilespmem:$0xCC00] =	vst v63  }
0x18: {  	_ =	swait.ge [sflag:s13], $0x200  }
0x19: {  	[sflag:s13] =	ssyncset.done $0x0  }
0x1a: {  	s0 =	simm.s32 $0x600;
	[sflag:s13] =	ssyncadd.s32 $0xFFFFFE00  }
0x1b: {  	[tilespmem:s0], [sflag:$0x3] =	stream.linear.gather [hbm4b:s10+s3], $0x200, $0x38;
	[tilespmem:$0xCC00] =	vst v63  }
0x1c: {  	_ =	swait.ge [sflag:s13], $0x200  }
0x1d: {  	[sflag:s13] =	ssyncset.done $0x0  }
0x1e: {  	[sflag:s13] =	ssyncadd.s32 $0xFFFFFE00  }
0x1f: {  	[tilespmem:s17], [sflag:$0x3] =	stream.linear.gather [hbm4b:s11+s3], $0x200, $0x38;
	[tilespmem:$0xCC00] =	vst v63  }
0x20: {  	_ =	swait.ge [sflag:s13], $0x200  }
0x21: {  	[sflag:s13] =	ssyncset.done $0x0  }
0x22: {  	[sflag:s13] =	ssyncadd.s32 $0xFFFFFE00  }
0x23: {  	s31 =	rddreg [dreg:$0x3]  }
0x24: {  	[tilespmem:s18], [sflag:$0x3] =	stream.linear.gather [hbm4b:s31+s3], $0x180, $0x38;
	[tilespmem:$0xCC00] =	vst v63  }
0x25: {  	_ =	swait.ge [sflag:s13], $0x180  }
0x26: {  	[sflag:s13] =	ssyncset.done $0x0  }
0x27: {  	s26 =	simm.s32 $0x0;
	s28 =	simm.s32 $0x0;
	[sflag:s13] =	ssyncadd.s32 $0xFFFFFE80  }
.LBB2_2:
0x28: {  	s29 =	sshll.u32 s28, $0x7  }
0x29: {  	[tilespmem:s20], [sflag:$0x1] =	stream.indirect.gather [hbm4b:s5+s19], $0x80, s29, s19, $0xb8;
	[tilespmem:$0xCC00] =	vst v63  }
0x2a: {  	s0 =	sadd.s32 $0x600, s29  }
0x2b: {  	[tilespmem:s21], [sflag:$0x2] =	stream.indirect.gather [hbm4b:s5+s19], $0x80, s0, s19, $0xb8;
	[tilespmem:$0xCC00] =	vst v63  }
0x2c: {  	s2 =	sadd.s32 $0x0, s26;
	_ =	swait.ge [sflag:s22], $0x4000  }
0x2d: {  	v4 =	vmov s2;
	[sflag:s22] =	ssyncset.done $0x0  }
0x2e: {  	[sflag:s22] =	ssyncadd.s32 $0xFFFFC000  }
0x2f: {  	_ =	swait.ge [sflag:s23], $0x4000  }
0x30: {  	[sflag:s23] =	ssyncset.done $0x0  }
0x31: {  	[sflag:s23] =	ssyncadd.s32 $0xFFFFC000  }
0x32: {  	v5 =	vld.idx.msk [tilespmem:v4+s14+$0x0], $0xffff  }
0x33: {  	v6 =	vld.idx.msk [tilespmem:v4+s15+$0x0], $0xffff  }
0x34: {  	v4 =	vld.idx.msk [tilespmem:v4+s17+$0x0], $0xffff;
	_ =	sdelay $0x3  }
0x35: {  	v7 =	vadd.s32 v0, v5  }
0x36: {  	s16 =	simm.s32 $0x0;
	v6 =	vshll.u32 v6, $0x7;
	v9 =	vadd.s32 v0, v4;
	v8 =	vand.u32 $0xFFFFFF80, v7  }
0x37: {  	v7 =	vand.u32 $0x7F, v7;
	v10 =	vor.u32 v0, v6;
	v8 =	vadd.s32 s16, v8  }
0x38: {  	v7 =	vor.u32 v7, v8;
	v8 =	vand.u32 $0xFFFFFF80, v9  }
0x39: {  	v9 =	vand.u32 $0x7F, v9;
	v8 =	vadd.s32 s16, v8  }
0x3a: {  	v8 =	vor.u32 v9, v8;
	_ =	sdelay $0x1  }
0x3b: {  	v48 =	vld.idx.msk [tilespmem:v10+s18+$0x0], $0xffff  }
0x3c: {  	v7 =	vld.idx.msk [tilespmem:v7+s20+$0x0], $0xffff;
	_ =	sdelay $0x1  }
0x3d: {  	v49 =	vadd.s32 v1, v5;
	v8 =	vld.idx.msk [tilespmem:v8+s21+$0x0], $0xffff  }
0x3e: {  	v11 =	vand.u32 $0xFFFFFF80, v49  }
0x3f: {  	v11 =	vadd.s32 s16, v11;
	v10 =	vand.u32 $0x7F, v49  }
0x40: {  	v12 =	vadd.s32 v1, v4;
	v50 =	vor.u32 v10, v11;
	v7 =	vadd.f32 v48, v7  }
0x41: {  	v51 =	vand.u32 $0xFFFFFF80, v12;
	v52 =	vor.u32 v1, v6  }
0x42: {  	v10 =	vadd.s32 s16, v51;
	v7 =	vsub.f32 v7, v8;
	v8 =	vand.u32 $0x7F, v12  }
0x43: {  	s30 =	simm.s32 $0x8C20;
	v8 =	vor.u32 v8, v10  }
0x44: {  	[tilespmem:s30+$0xFFFFFFE0] =	vst v7  }
0x45: {  	v7 =	vld.idx.msk [tilespmem:v50+s20+$0x0], $0xffff  }
0x46: {  	v53 =	vld.idx.msk [tilespmem:v52+s18+$0x0], $0xffff;
	_ =	sdelay $0x1  }
0x47: {  	v54 =	vadd.s32 v2, v5;
	v8 =	vld.idx.msk [tilespmem:v8+s21+$0x0], $0xffff  }
0x48: {  	v55 =	vand.u32 $0xFFFFFF80, v54  }
0x49: {  	v11 =	vadd.s32 s16, v55;
	v10 =	vand.u32 $0x7F, v54  }
0x4a: {  	v56 =	vadd.s32 v2, v4;
	v57 =	vor.u32 v10, v11;
	v7 =	vadd.f32 v53, v7  }
0x4b: {  	v58 =	vand.u32 $0xFFFFFF80, v56;
	v59 =	vor.u32 v2, v6  }
0x4c: {  	v10 =	vadd.s32 s16, v58;
	v7 =	vsub.f32 v7, v8;
	v8 =	vand.u32 $0x7F, v56  }
0x4d: {  	v8 =	vor.u32 v8, v10  }
0x4e: {  	[tilespmem:s30+$0xFFFFFFF0] =	vst v7  }
0x4f: {  	v7 =	vld.idx.msk [tilespmem:v57+s20+$0x0], $0xffff  }
0x50: {  	v60 =	vld.idx.msk [tilespmem:v59+s18+$0x0], $0xffff;
	_ =	sdelay $0x1  }
0x51: {  	v5 =	vadd.s32 v3, v5;
	v8 =	vld.idx.msk [tilespmem:v8+s21+$0x0], $0xffff  }
0x52: {  	v61 =	vand.u32 $0xFFFFFF80, v5  }
0x53: {  	v5 =	vand.u32 $0x7F, v5;
	v10 =	vadd.s32 s16, v61  }
0x54: {  	v4 =	vadd.s32 v3, v4;
	v5 =	vor.u32 v5, v10;
	v7 =	vadd.f32 v60, v7  }
0x55: {  	v62 =	vand.u32 $0xFFFFFF80, v4;
	v6 =	vor.u32 v3, v6  }
0x56: {  	v4 =	vand.u32 $0x7F, v4;
	v63 =	vadd.s32 s16, v62;
	v7 =	vsub.f32 v7, v8  }
0x57: {  	v4 =	vor.u32 v4, v63  }
0x58: {  	[tilespmem:s30+$0x0] =	vst v7  }
0x59: {  	v5 =	vld.idx.msk [tilespmem:v5+s20+$0x0], $0xffff  }
0x5a: {  	v7 =	vld.idx.msk [tilespmem:v6+s18+$0x0], $0xffff;
	_ =	sdelay $0x1  }
0x5b: {  	s1 =	sadd.s32 $0x1, s26;
	v6 =	vld.idx.msk [tilespmem:v4+s21+$0x0], $0xffff  }
0x5c: {  	s31 =	simm.s32 $0x1;
	s0 =	simm.s32 $0x2;
	v4 =	vmov s1;
	s1 =	simm.s32 $0x8C20  }
.LBB2_3:
0x5d: {  	p0 =	sne.s32 s0, $0x7F  }
0x5e: {  	v5 =	vadd.f32 v7, v5;
	s30 =	sadd.s32 $0x80, s30;
	s2 =	smov.u32 s0;
	s0 =	sadd.s32 $0x1, s0  }
0x5f: {  	_ = 	snop  }
0x60: {  	v5 =	vsub.f32 v5, v6;
	_ =	sdelay $0x1  }
0x61: {  	[tilespmem:s1+$0x10] =	vst v5;
	s1 =	smov.u32 s30  }
0x62: {  	v5 =	vld.idx.msk [tilespmem:v4+s14+$0x0], $0xffff  }
0x63: {  	v6 =	vld.idx.msk [tilespmem:v4+s15+$0x0], $0xffff  }
0x64: {  	v4 =	vld.idx.msk [tilespmem:v4+s17+$0x0], $0xffff;
	_ =	sdelay $0x3  }
0x65: {  	v7 =	vadd.s32 v0, v5;
	v8 =	vadd.s32 v1, v5;
	v9 =	vadd.s32 v2, v5  }
0x66: {  	s16 =	sshll.u32 s31, $0x7;
	s31 =	smov.u32 s2;
	v10 =	vand.u32 $0xFFFFFF80, v7;
	v7 =	vand.u32 $0x7F, v7;
	v6 =	vshll.u32 v6, $0x7  }
0x67: {  	v10 =	vadd.s32 s16, v10;
	v11 =	vadd.s32 v0, v4;
	v12 =	vor.u32 v0, v6  }
0x68: {  	v13 =	vand.u32 $0xFFFFFF80, v8;
	v7 =	vor.u32 v7, v10;
	v10 =	vand.u32 $0xFFFFFF80, v11  }
0x69: {  	v13 =	vadd.s32 s16, v13;
	v11 =	vand.u32 $0x7F, v11;
	v10 =	vadd.s32 s16, v10  }
0x6a: {  	v14 =	vand.u32 $0xFFFFFF80, v9;
	v10 =	vor.u32 v11, v10;
	v11 =	vadd.s32 v1, v4  }
0x6b: {  	v14 =	vadd.s32 s16, v14;
	v16 =	vadd.s32 v2, v4;
	v15 =	vand.u32 $0xFFFFFF80, v11  }
0x6c: {  	v5 =	vadd.s32 v3, v5;
	v17 =	vand.u32 $0xFFFFFF80, v16;
	v15 =	vadd.s32 s16, v15;
	v12 =	vld.idx.msk [tilespmem:v12+s18+$0x0], $0xffff  }
0x6d: {  	v18 =	vand.u32 $0xFFFFFF80, v5;
	v17 =	vadd.s32 s16, v17;
	v4 =	vadd.s32 v3, v4;
	v7 =	vld.idx.msk [tilespmem:v7+s20+$0x0], $0xffff  }
0x6e: {  	v18 =	vadd.s32 s16, v18;
	v19 =	vand.u32 $0xFFFFFF80, v4  }
0x6f: {  	v19 =	vadd.s32 s16, v19;
	v10 =	vld.idx.msk [tilespmem:v10+s21+$0x0], $0xffff;
	_ =	sdelay $0x2  }
0x70: {  	v8 =	vand.u32 $0x7F, v8  }
0x71: {  	v8 =	vor.u32 v8, v13;
	v7 =	vadd.f32 v12, v7  }
0x72: {  	v12 =	vor.u32 v1, v6  }
0x73: {  	v7 =	vsub.f32 v7, v10;
	v10 =	vand.u32 $0x7F, v11  }
0x74: {  	v10 =	vor.u32 v10, v15  }
0x75: {  	[tilespmem:s30+$0xFFFFFFE0] =	vst v7  }
0x76: {  	v7 =	vld.idx.msk [tilespmem:v8+s20+$0x0], $0xffff  }
0x77: {  	v8 =	vld.idx.msk [tilespmem:v12+s18+$0x0], $0xffff;
	_ =	sdelay $0x1  }
0x78: {  	v10 =	vld.idx.msk [tilespmem:v10+s21+$0x0], $0xffff;
	_ =	sdelay $0x2  }
0x79: {  	v9 =	vand.u32 $0x7F, v9  }
0x7a: {  	v7 =	vadd.f32 v8, v7;
	v8 =	vor.u32 v9, v14  }
0x7b: {  	v9 =	vor.u32 v2, v6  }
0x7c: {  	v7 =	vsub.f32 v7, v10;
	v10 =	vand.u32 $0x7F, v16  }
0x7d: {  	v10 =	vor.u32 v10, v17  }
0x7e: {  	[tilespmem:s30+$0xFFFFFFF0] =	vst v7  }
0x7f: {  	v7 =	vld.idx.msk [tilespmem:v8+s20+$0x0], $0xffff  }
0x80: {  	v8 =	vld.idx.msk [tilespmem:v9+s18+$0x0], $0xffff;
	_ =	sdelay $0x1  }
0x81: {  	v9 =	vld.idx.msk [tilespmem:v10+s21+$0x0], $0xffff;
	_ =	sdelay $0x2  }
0x82: {  	v5 =	vand.u32 $0x7F, v5  }
0x83: {  	v5 =	vor.u32 v5, v18;
	v7 =	vadd.f32 v8, v7  }
0x84: {  	v4 =	vand.u32 $0x7F, v4;
	v6 =	vor.u32 v3, v6  }
0x85: {  	v4 =	vor.u32 v4, v19;
	v7 =	vsub.f32 v7, v9;
	_ =	sdelay $0x1  }
0x86: {  	[tilespmem:s30+$0x0] =	vst v7  }
0x87: {  	v5 =	vld.idx.msk [tilespmem:v5+s20+$0x0], $0xffff  }
0x88: {  	v7 =	vld.idx.msk [tilespmem:v6+s18+$0x0], $0xffff  }
.Ltmp0:
0x89: {  	v6 =	vld.idx.msk [tilespmem:v4+s21+$0x0], $0xffff;
	(pc) =	sbr.rel @p0 .LBB2_3-.Ltmp0, $3  }
0x8a: {  	_ =	sdelay $0x1  }
0x8b: {  	s2 =	sadd.s32 s31, s26  }
0x8c: {  	v4 =	vmov s2  }
0x8d: {  	v5 =	vadd.f32 v7, v5;
	_ =	sdelay $0x1  }
0x8e: {  	v5 =	vsub.f32 v5, v6;
	_ =	sdelay $0x1  }
0x8f: {  	[tilespmem:s1+$0x10] =	vst v5  }
0x90: {  	v5 =	vld.idx.msk [tilespmem:v4+s14+$0x0], $0xffff  }
0x91: {  	v44 =	vld.idx.msk [tilespmem:v4+s15+$0x0], $0xffff  }
0x92: {  	v4 =	vld.idx.msk [tilespmem:v4+s17+$0x0], $0xffff;
	_ =	sdelay $0x3  }
0x93: {  	v45 =	vadd.s32 v0, v5  }
0x94: {  	s0 =	sshll.u32 s31, $0x7;
	v6 =	vshll.u32 v44, $0x7;
	v9 =	vadd.s32 v0, v4;
	v8 =	vand.u32 $0xFFFFFF80, v45  }
0x95: {  	v7 =	vand.u32 $0x7F, v45;
	v10 =	vor.u32 v0, v6;
	v8 =	vadd.s32 s0, v8  }
0x96: {  	v46 =	vand.u32 $0xFFFFFF80, v9;
	v7 =	vor.u32 v7, v8  }
0x97: {  	v9 =	vand.u32 $0x7F, v9;
	v8 =	vadd.s32 s0, v46  }
0x98: {  	v8 =	vor.u32 v9, v8;
	_ =	sdelay $0x1  }
0x99: {  	v47 =	vld.idx.msk [tilespmem:v10+s18+$0x0], $0xffff  }
0x9a: {  	v7 =	vld.idx.msk [tilespmem:v7+s20+$0x0], $0xffff;
	_ =	sdelay $0x1  }
0x9b: {  	v48 =	vadd.s32 v1, v5;
	v8 =	vld.idx.msk [tilespmem:v8+s21+$0x0], $0xffff  }
0x9c: {  	v11 =	vand.u32 $0xFFFFFF80, v48  }
0x9d: {  	v11 =	vadd.s32 s0, v11;
	v10 =	vand.u32 $0x7F, v48  }
0x9e: {  	v12 =	vadd.s32 v1, v4;
	v49 =	vor.u32 v10, v11;
	v7 =	vadd.f32 v47, v7  }
0x9f: {  	v50 =	vand.u32 $0xFFFFFF80, v12;
	v51 =	vor.u32 v1, v6  }
0xa0: {  	v52 =	vand.u32 $0x7F, v12;
	v10 =	vadd.s32 s0, v50;
	v7 =	vsub.f32 v7, v8  }
0xa1: {  	s30 =	sadd.s32 $0x80, s30;
	v8 =	vor.u32 v52, v10  }
0xa2: {  	[tilespmem:s30+$0xFFFFFFE0] =	vst v7  }
0xa3: {  	v7 =	vld.idx.msk [tilespmem:v49+s20+$0x0], $0xffff  }
0xa4: {  	v53 =	vld.idx.msk [tilespmem:v51+s18+$0x0], $0xffff;
	_ =	sdelay $0x1  }
0xa5: {  	v54 =	vadd.s32 v2, v5;
	v8 =	vld.idx.msk [tilespmem:v8+s21+$0x0], $0xffff  }
0xa6: {  	v55 =	vand.u32 $0xFFFFFF80, v54  }
0xa7: {  	v11 =	vadd.s32 s0, v55;
	v10 =	vand.u32 $0x7F, v54  }
0xa8: {  	v56 =	vadd.s32 v2, v4;
	v57 =	vor.u32 v10, v11;
	v7 =	vadd.f32 v53, v7  }
0xa9: {  	v58 =	vand.u32 $0xFFFFFF80, v56;
	v59 =	vor.u32 v2, v6  }
0xaa: {  	v60 =	vand.u32 $0x7F, v56;
	v10 =	vadd.s32 s0, v58;
	v7 =	vsub.f32 v7, v8  }
0xab: {  	v8 =	vor.u32 v60, v10  }
0xac: {  	[tilespmem:s30+$0xFFFFFFF0] =	vst v7  }
0xad: {  	v7 =	vld.idx.msk [tilespmem:v57+s20+$0x0], $0xffff  }
0xae: {  	v61 =	vld.idx.msk [tilespmem:v59+s18+$0x0], $0xffff;
	_ =	sdelay $0x1  }
0xaf: {  	v5 =	vadd.s32 v3, v5;
	v8 =	vld.idx.msk [tilespmem:v8+s21+$0x0], $0xffff  }
0xb0: {  	v62 =	vand.u32 $0xFFFFFF80, v5  }
0xb1: {  	v5 =	vand.u32 $0x7F, v5;
	v10 =	vadd.s32 s0, v62  }
0xb2: {  	v4 =	vadd.s32 v3, v4;
	v5 =	vor.u32 v5, v10;
	v7 =	vadd.f32 v61, v7  }
0xb3: {  	v63 =	vand.u32 $0xFFFFFF80, v4;
	v6 =	vor.u32 v3, v6  }
0xb4: {  	v4 =	vand.u32 $0x7F, v4;
	v9 =	vadd.s32 s0, v63;
	v7 =	vsub.f32 v7, v8  }
0xb5: {  	v4 =	vor.u32 v4, v9  }
0xb6: {  	[tilespmem:s30+$0x0] =	vst v7  }
0xb7: {  	v5 =	vld.idx.msk [tilespmem:v5+s20+$0x0], $0xffff  }
0xb8: {  	v6 =	vld.idx.msk [tilespmem:v6+s18+$0x0], $0xffff;
	_ =	sdelay $0x1  }
0xb9: {  	v4 =	vld.idx.msk [tilespmem:v4+s21+$0x0], $0xffff;
	_ =	sdelay $0x2  }
0xba: {  	v5 =	vadd.f32 v6, v5;
	_ =	sdelay $0x1  }
0xbb: {  	s31 =	sadd.s32 s4, s29;
	s28 =	sadd.s32 $0x1, s28;
	v4 =	vsub.f32 v5, v4  }
0xbc: {  	p0 =	sne.s32 s28, $0x4;
	s0 =	sshll.u32 s31, $0x4  }
.Ltmp1:
0xbd: {  	s0 =	sadd.s32 s6, s0;
	[tilespmem:s30+$0x10] =	vst v4;
	(pc) =	sbr.rel @p0 .LBB2_2-.Ltmp1, $4  }
0xbe: {  	[hbm4b:s0+s3] =	stream.linear.scatter [tilespmem:s24], [sflag:$0x3], $0x4000, $0x38;
	[tilespmem:$0xCC00] =	vst v63  }
0xbf: {  	_ =	swait.ge [sflag:s13], $0x4000  }
0xc0: {  	[sflag:s13] =	ssyncset.done $0x0  }
0xc1: {  	s26 =	sadd.s32 $0x80, s26;
	[sflag:s13] =	ssyncadd.s32 $0xFFFFC000  }
0xc2: {  	s25 =	sadd.s32 $0x1, s25  }
0xc3: {  	p0 =	sne.s32 s25, s12  }
.Ltmp2:
0xc4: {  	_ = 	snop;
	(pc) =	sbr.rel @p0 .LBB2_1-.Ltmp2, $1  }
0xc5: {  	_ =	sdelay $0x3  }
0xc6: {  	_ =	sfence.sel $0x180000  }
0xc7: {  	[bflag:$0x0] =	sbarrier.arrive $0xFFFF  }
0xc8: {  	_ =	strace $0x9000004A  }
0xc9: {  	s0 =	stileid.u32;
	[bflag:$0x2] =	sbarrier.arrive $0xFFFF  }
0xca: {  	p0 =	sne.s32 s0, $0x0;
	s0 =	rddreg [dreg:$0x4]  }
0xcb: {  	s0 =	sadd.s32 @!p0 $0x100000, s0  }
0xcc: {  	[sflag:s0] =	ssyncadd.tile.s32 @!p0 $0x1;
	_ =	shalt  }
.Lfunc_end2:
_tile_overlayer_lowered:
.L_overlay_start_2:
0xcd: {  	(tag) =	ssettag $0x2  }
0xce: {  	s0 =	rddreg [dreg:$0x0];
	s2 =	stileid.u32  }
0xcf: {  	s1 =	rddreg [dreg:$0x1];
	p0 =	sne.s32 s2, $0x0  }
0xd0: {  	s3 =	rddreg [dreg:$0x2];
	[bflag:$0x3] =	sbarrier.arrive $0xFFFF;
	s2 =	simm.s32 @!p0 $0x1C03  }
0xd1: {  	[timem:s3], [sflag:s2] =	dma.local @!p0 [hbm:s0], s1  }
0xd2: {  	s0 =	simm.s32 @!p0 $0x3  }
0xd3: {  	_ =	swait.ge @!p0 [sflag:s0], s1  }
0xd4: {  	s1 =	ssub.s32 @!p0 $0x0, s1;
	[sflag:s0] =	ssyncset.done @!p0 $0x0  }
0xd5: {  	[sflag:s0] =	ssyncadd.s32 @!p0 s1  }
0xd6: {  	[bflag:$0x3] =	sbarrier.arrive $0xFFFF  }
0xd7: {  	_ =	shalt  }

// kernel: sparse-core-data-format-call.cloned.1.call-start
scs
called_computation_lowered:
.L_overlay_start_0:
0x0: {  	s2 =	sld [smem:$0x3FD9]  }
0x1: {  	s3 =	sld [smem:$0x3FFE];
	_ =	sdelay $0x1  }
0x2: {  	s1 =	srdreg.scid  }
0x3: {  	s0 =	sand.u32 $0x1, s1  }
0x4: {  	s18 =	sshll.u32 s0, $0xA;
	s2 =	sadd.s32 s3, s2  }
0x5: {  	s2 =	sadd.s32 s2, s18  }
0x6: {  	[smem:$0x3FC3] =	sst s2  }
0x7: {  	_ = 	snop  }
0x8: {  	s2 =	sld [smem:$0x3FC6];
	(tm) =	ssettm $0x1  }
0x9: {  	s19 =	sld [smem:$0x3FFB];
	_ =	sdelay $0x3  }
0xa: {  	_ =	strace s19  }
0xb: {  	s3 =	sld [smem:$0x3FFC];
	_ =	sdelay $0x3  }
0xc: {  	_ =	strace s3  }
0xd: {  	s3 =	sld [smem:$0x3FFD];
	_ =	sdelay $0x3  }
0xe: {  	_ =	strace s3  }
0xf: {  	_ =	strace $0x8FFFFFFF  }
0x10: {  	s20 =	sld [smem:$0x3FDB];
	_ =	sdelay $0x1  }
0x11: {  	s4 =	simm.s32 $_scs_section_size  }
0x12: {  	s5 =	simm.s32 $_size__tile_overlayer_lowered;
	s6 =	simm.s32 $_tile_overlayer_lowered  }
0x13: {  	s23 =	simm.s32 $0x1BFF;
	s22 =	sshll.u32 s6, $0x1;
	s3 =	sadd.s32 s4, s20  }
0x14: {  	s7 =	simm.s32 $0x0;
	s21 =	sshll.u32 s5, $0x1;
	s5 =	sadd.s32 s22, s3  }
0x15: {  	[timem:s7], [sflag:s23] =	dma.local [hbm:s5], s21  }
0x16: {  	_ =	swait.ge [sflag:s23], s21  }
0x17: {  	s4 =	ssub.s32 $0x0, s21;
	[sflag:s23] =	ssyncset.done $0x0  }
0x18: {  	[sflag:s23] =	ssyncadd.s32 s4;
	_ =	sdelay $0x1  }
0x19: {  	s24 =	simm.s32 $0x1B8B  }
0x1a: {  	_ =	swait.ge [sflag:s24], $0x1  }
0x1b: {  	[sflag:s24] =	ssyncset.done $0x0  }
0x1c: {  	s26 =	simm.s32 $0x1B8E;
	s25 =	sld [smem:$0x3FFE];
	[sflag:s24] =	ssyncadd.s32 $0xFFFFFFFF  }
0x1d: {  	s27 =	simm.s32 $execute0_lowered;
	[smem:$0x3FD2] =	sst s26  }
0x1e: {  	s5 =	sshll.u32 s27, $0x1;
	_ =	strace $0x80000046;
	[dreg:$0x1] =	wrdreg $0xFFFFFFFF  }
0x1f: {  	s28 =	simm.s32 $_size_execute0_lowered;
	s3 =	sadd.s32 s3, s5;
	[dreg:$0x0] =	wrdreg $0x0  }
0x20: {  	s5 =	sshll.u32 s28, $0x1;
	[dreg:$0x2] =	wrdreg s3  }
0x21: {  	[dreg:$0x3] =	wrdreg s5  }
0x22: {  	[dreg:$0x4] =	wrdreg $0xC0  }
0x23: {  	_ =	task [dreg:s7], $0x5FFFF  }
0x24: {  	[dreg:$0x1] =	wrdreg $0xFFFFFFFF  }
0x25: {  	[dreg:$0x0] =	wrdreg $0x60  }
0x26: {  	[dreg:$0x2] =	wrdreg s2  }
0x27: {  	[dreg:$0x3] =	wrdreg s25  }
0x28: {  	[dreg:$0x4] =	wrdreg $0x9  }
0x29: {  	_ =	task.clear_ibuf [dreg:s7], $0x5FFFF;
	_ =	strace $0x90000046  }
0x2a: {  	s29 =	simm.s32 $0x9;
	_ =	strace $0x80000048  }
0x2b: {  	_ =	swait.ge [sflag:s29], $0x1  }
0x2c: {  	[sflag:s29] =	ssyncadd.s32 $0xFFFFFFFF  }
0x2d: {  	_ =	strace $0x90000048  }
0x2e: {  	_ =	sfence  }
0x2f: {  	s30 =	sld [smem:$0x0];
	_ =	sdelay $0x2  }
0x30: {  	s31 =	sshll.u32 s1, $0xD;
	s1 =	sshrl.u32 s1, $0x2  }
0x31: {  	s3 =	sand.u32 $0x4000, s31;
	s1 =	sadd.s32 s1, s30  }
0x32: {  	s0 =	sor.u32 s3, s0;
	s1 =	sshll.u32 s1, $0x11  }
0x33: {  	s0 =	sor.u32 s1, s0  }
0x34: {  	s0 =	sadd.s32 $0x8F2B, s0  }
0x35: {  	[sflag:s0] =	ssyncadd.remote.s32 $0x1  }
0x36: {  	_ =	sfence.sel $0xFFFF  }
0x37: {  	[dreg:$0x0] =	wrdreg $0xFFFFFFFF;
	(pc) =	sbr.abs _section_cstart, $3  }
0x38: {  	[dreg:$0x1] =	wrdreg $0xFFFFFFFF  }
0x39: {  	_ =	task.clear_ibuf [dreg:s7], $0x2FFFF;
	_ =	strace $0x9FFFFFFF  }
0x3a: {  	(tm) =	ssettm $0x7FFFFFFF  }
0x3b: {  	_ =	shalt  }
tec
execute0_lowered:
.L_overlay_start_1:
0x0: {  	(tag) =	ssettag $0x1  }
0x1: {  	s0 =	srdreg.scid;
	s2 =	rddreg [dreg:$0x0]  }
0x2: {  	s5 =	rddreg [dreg:$0x1];
	s1 =	stileid.u32  }
0x3: {  	s4 =	simm.s32 $0x1;
	s6 =	simm.s32 $0x2;
	s15 =	simm.s32 $0x0  }
0x4: {  	p0 =	por $0x0, $0x0;
	s8 =	simm.s32 $0x80;
	s0 =	sshll.u32 s0, $0x4  }
0x5: {  	s14 =	simm.s32 $0x0;
	s9 =	simm.s32 $0x0;
	s3 =	sand.u32 $0x10, s0  }
.Ltmp0:
0x6: {  	s10 =	simm.s32 $0x0;
	s3 =	sor.u32 s1, s3;
	(pc) =	sbr.rel .LBB1_1-.Ltmp0, $4  }
0x7: {  	s0 =	rddreg [dreg:$0x2];
	_ =	strace $0x80000047;
	s3 =	sshll.u32 s3, $0x7  }
0x8: {  	s12 =	simm.s32 $0x0;
	[sflag:s4] =	ssyncpa.u1 $0x0;
	s7 =	ssub.s32 $0xF4200, s3  }
0x9: {  	s13 =	simm.s32 $0x0;
	[sflag:s6] =	ssyncpa.u1 $0x0;
	s6 =	sshrl.u32 s7, $0xC  }
0xa: {  	s5 =	sadd.s32 $0xE00, s5;
	s11 =	smov.u32 s3;
	s7 =	sadd.s32 $0x2, s6  }
.LBB1_5:
0xb: {  	p1 =	slt.u32 s13, $0x2  }
0xc: {  	s17 =	smov.u32 s15;
	p2 =	sgt.s32 @!p1 s15, $0xF41C0;
	s16 =	sshra.s32 @!p1 s15, $0x1F  }
0xd: {  	p3 =	sgt.s32 @!p1 s14, $0x40;
	s18 =	sshra.s32 @!p1 s14, $0x1F;
	p2 =	por !p2, p1  }
0xe: {  	s15 =	sand.u32 @!p1 s16, s15;
	p3 =	por !p3, p1;
	s16 =	smov.u32 s14  }
0xf: {  	s14 =	sand.u32 @!p1 s18, s14;
	s17 =	simm.s32 @p2 $0xF41C0;
	s16 =	simm.s32 @p3 $0x40  }
0x10: {  	s15 =	ssub.s32 @!p1 s17, s15;
	s14 =	ssub.s32 @!p1 s16, s14  }
0x11: {  	s18 =	smov.u32 s12;
	s16 =	sadd.s32 @!p1 $0xFFF0BE40, s15;
	s17 =	sadd.s32 @!p1 $0xFFFFFFC0, s14  }
0x12: {  	s15 =	ssub.s32 @!p1 $0xF4240, s15;
	p2 =	sgt.s32 @!p1 s16, $0x7F;
	p3 =	sgt.s32 @!p1 s17, $0x3F  }
0x13: {  	s14 =	ssub.s32 @!p1 $0x80, s14;
	p2 =	por !p2, p1;
	p3 =	por !p3, p1  }
0x14: {  	s16 =	sadd.s32 $0x1000, s11;
	s15 =	simm.s32 @!p2 $0x0;
	s14 =	simm.s32 @!p3 $0x0  }
0x15: {  	p2 =	sgt.s32 s16, $0xF423F;
	s14 =	smul.u32 @!p1 s14, s15;
	s15 =	sadd.s32 $0x40, s12  }
0x16: {  	s18 =	smov.u32 @p2 s15  }
0x17: {  	s16 =	smov.u32 @p2 s3;
	p2 =	sgt.s32 s18, $0x3F  }
0x18: {  	s18 =	simm.s32 @p2 $0x0;
	p2 =	sne.s32 s13, s7  }
.Ltmp1:
0x19: {  	p0 =	por !p0, !p0;
	s17 =	simm.s32 @!p1 $0x2;
	(pc) =	sbr.rel @!p2 .LBB1_6-.Ltmp1, $4  }
0x1a: {  	s15 =	smov.u32 s9;
	s9 =	smov.u32 s11;
	s14 =	sand.u32 @!p1 $0x3FFFFFFF, s14  }
0x1b: {  	s11 =	smov.u32 s16;
	_ =	swait.ge @!p1 [sflag:s17], s14;
	s19 =	ssub.s32 @!p1 $0x0, s14  }
0x1c: {  	s14 =	smov.u32 s10;
	s13 =	sadd.s32 $0x1, s13;
	[sflag:s17] =	ssyncset.done @!p1 $0x0  }
0x1d: {  	s10 =	smov.u32 s12;
	s12 =	smov.u32 s18;
	[sflag:s17] =	ssyncadd.s32 @!p1 s19  }
.LBB1_1:
0x1e: {  	p1 =	sgt.u32 s13, s6  }
0x1f: {  	s16 =	sshrl.u32 @!p1 s12, $0x3  }
0x20: {  	s17 =	sshll.u32 @!p1 s11, $0x3;
	s16 =	smul.u32 @!p1 $0x7A1400, s16  }
0x21: {  	s18 =	sshll.u32 @!p1 s12, $0x7;
	s17 =	sand.u32 @!p1 $0xFFFFFC00, s17  }
0x22: {  	s16 =	sadd.s32 @!p1 s16, s17;
	s17 =	sand.u32 @!p1 $0x380, s18  }
0x23: {  	s18 =	sand.u32 @!p1 $0x7F, s11;
	s16 =	sor.u32 @!p1 s17, s16  }
0x24: {  	s17 =	sor.u32 @!p1 s18, s16  }
0x25: {  	s18 =	smulhi.u32 @!p1 $0x218D6287, s17;
	_ =	sdelay $0x1  }
0x26: {  	s16 =	smulhi.u32 @!p1 $0x218D6287, s16;
	s18 =	sshrl.u32 @!p1 s18, $0x11  }
0x27: {  	s18 =	smul.u32 @!p1 $0xF4280, s18  }
0x28: {  	s19 =	sxor.u32 @!p1 $0xFFFFFFFF, s13;
	s16 =	sshrl.u32 @!p1 s16, $0x11  }
0x29: {  	s19 =	sshll.u32 @!p1 s19, $0xD;
	s16 =	sand.u32 @!p1 $0x3F, s16;
	s17 =	ssub.s32 @!p1 s17, s18  }
0x2a: {  	s16 =	smul.u32 @!p1 $0x1E850, s16;
	s18 =	sshrl.u32 @!p1 s17, $0x3;
	s17 =	sand.u32 @!p1 $0x7, s17  }
0x2b: {  	s19 =	sand.u32 @!p1 $0x2000, s19;
	s18 =	sadd.s32 @!p1 s2, s18;
	s17 =	sshll.u32 @!p1 s17, $0x12  }
0x2c: {  	s16 =	sadd.s32 @!p1 s16, s18;
	s17 =	sor.u32 @!p1 $0x400, s17;
	s18 =	simm.s32 @!p1 $0x7A1400  }
0x2d: {  	[tilespmem:s19], [sflag:$0x1] =	stream.strided.gather @!p1 [hbm4b:s16+s17], $0x2000, s18, s17, $0x38;
	[tilespmem:$0x8100] =	vst v63  }
0x2e: {  	p1 =	seq.s32 s13, $0x0  }
0x2f: {  	p2 =	sge.u32 @!p1 s13, s7  }
0x30: {  	p1 =	por p1, p2  }
.Ltmp2:
0x31: {  	_ = 	snop;
	(pc) =	sbr.rel @p1 .LBB1_5-.Ltmp2, $1  }
0x32: {  	_ =	sdelay $0x3  }
0x33: {  	s16 =	simm.s32 $0x1  }
0x34: {  	_ =	swait.ge [sflag:s4], $0x2000;
	s16 =	simm.s32 @!p0 $0x0  }
0x35: {  	[sflag:s4] =	ssyncset.done $0x0;
	s17 =	sshll.u32 s16, $0xD  }
0x36: {  	[sflag:s4] =	ssyncadd.s32 $0xFFFFE000;
	s17 =	sor.u32 $0x40, s17  }
0x37: {  	s16 =	smul.u32 $0x8200, s16;
	v0 =	vld [tilespmem:s17+$0x30]  }
0x38: {  	v1 =	vld [tilespmem:s17+$0xFFFFFFD0]  }
0x39: {  	s16 =	sshrl.u32 s16, $0x2;
	v5 =	vld [tilespmem:s17+$0xFFFFFFE0]  }
0x3a: {  	v6 =	vld [tilespmem:s17+$0xFFFFFFF0];
	s19 =	sor.u32 $0x4000, s16  }
0x3b: {  	s31 =	sand.u32 $0x1, s13;
	v4 =	vld [tilespmem:s17+$0x0];
	s18 =	sadd.s32 $0x0, s19  }
0x3c: {  	v3 =	vld [tilespmem:s17+$0x10];
	s16 =	smul.u32 $0x8200, s31;
	[tilespmem:s18+$0x1C70 ss:$0x41] =	vst.msk $0xffff, v0  }
0x3d: {  	v2 =	vld [tilespmem:s17+$0x20];
	[tilespmem:s18+$0x410 ss:$0x41] =	vst.msk $0xffff, v1  }
0x3e: {  	s16 =	sshrl.u32 s16, $0x2;
	v1 =	vld [tilespmem:s17+$0xFFFFFFC0];
	[tilespmem:s18+$0x820 ss:$0x41] =	vst.msk $0xffff, v5;
	s17 =	sadd.s32 $0x80, s17  }
0x3f: {  	s20 =	simm.s32 $0x4;
	s21 =	simm.s32 $0x8;
	s16 =	sor.u32 $0x4000, s16;
	[tilespmem:s18+$0xC30 ss:$0x41] =	vst.msk $0xffff, v6;
	v0 =	vld [tilespmem:s17+$0x30]  }
.LBB1_3:
0x40: {  	p1 =	sne.s32 s21, $0xFC;
	v5 =	vld [tilespmem:s17+$0xFFFFFFD0];
	[tilespmem:s18+$0x1040 ss:$0x41] =	vst.msk $0xffff, v4  }
0x41: {  	v6 =	vld [tilespmem:s17+$0xFFFFFFE0];
	[tilespmem:s18+$0x1450 ss:$0x41] =	vst.msk $0xffff, v3  }
0x42: {  	s22 =	sshra.s32 s20, $0x2;
	s20 =	smov.u32 s21;
	v7 =	vld [tilespmem:s17+$0xFFFFFFF0];
	[tilespmem:s18+$0x1860 ss:$0x41] =	vst.msk $0xffff, v2  }
.Ltmp3:
0x43: {  	v4 =	vld [tilespmem:s17+$0x0];
	[tilespmem:s18+$0x0 ss:$0x41] =	vst.msk $0xffff, v1;
	s18 =	sadd.s32 s22, s19;
	(pc) =	sbr.rel @p1 .LBB1_3-.Ltmp3, $4  }
0x44: {  	v3 =	vld [tilespmem:s17+$0x10];
	[tilespmem:s18+$0x1C70 ss:$0x41] =	vst.msk $0xffff, v0  }
0x45: {  	[tilespmem:s18+$0x410 ss:$0x41] =	vst.msk $0xffff, v5;
	v2 =	vld [tilespmem:s17+$0x20]  }
0x46: {  	v1 =	vld [tilespmem:s17+$0xFFFFFFC0];
	[tilespmem:s18+$0x820 ss:$0x41] =	vst.msk $0xffff, v6;
	s17 =	sadd.s32 $0x80, s17  }
0x47: {  	s21 =	sadd.s32 $0x4, s21;
	v0 =	vld [tilespmem:s17+$0x30];
	[tilespmem:s18+$0xC30 ss:$0x41] =	vst.msk $0xffff, v7  }
0x48: {  	s21 =	sshll.u32 s9, $0x7;
	s22 =	sshll.u32 s10, $0x3;
	s20 =	sshra.s32 s20, $0x2  }
0x49: {  	p1 =	sgt.s32 s9, $0xF41C0;
	s30 =	sshra.s32 s9, $0x1F;
	s25 =	sshra.s32 s10, $0x1F  }
0x4a: {  	v5 =	vld [tilespmem:s17+$0xFFFFFFD0];
	s28 =	sshrl.u32 s10, $0x3;
	s23 =	sand.u32 $0xFFFFFC00, s21;
	s22 =	sand.u32 $0xFFFFFC00, s22  }
0x4b: {  	[tilespmem:s18+$0x1040 ss:$0x41] =	vst.msk $0xffff, v4;
	v58 =	vld [tilespmem:s17+$0xFFFFFFE0];
	s21 =	sand.u32 $0x380, s21;
	s19 =	sadd.s32 s20, s19;
	s22 =	sadd.s32 s22, s23  }
0x4c: {  	v59 =	vld [tilespmem:s17+$0xFFFFFFF0];
	[tilespmem:s18+$0x1450 ss:$0x41] =	vst.msk $0xffff, v3;
	s29 =	sor.u32 s21, s22;
	s21 =	smov.u32 s9;
	s22 =	sand.u32 s30, s9  }
0x4d: {  	v60 =	vld [tilespmem:s17+$0x0];
	[tilespmem:s18+$0x1860 ss:$0x41] =	vst.msk $0xffff, v2;
	s30 =	sand.u32 $0x7, s10;
	s20 =	sshrl.u32 s29, $0x7;
	s21 =	simm.s32 @!p1 $0xF41C0  }
0x4e: {  	v61 =	vld [tilespmem:s17+$0x10];
	[tilespmem:s18+$0x0 ss:$0x41] =	vst.msk $0xffff, v1;
	p1 =	sgt.s32 s10, $0x40;
	s24 =	ssub.s32 s21, s22;
	s21 =	smov.u32 s10  }
0x4f: {  	v62 =	vld [tilespmem:s17+$0x20];
	[tilespmem:s19+$0x1C70 ss:$0x41] =	vst.msk $0xffff, v0;
	s31 =	smulhi.u32 $0x218DEF5, s20;
	s22 =	sand.u32 s25, s10;
	s21 =	simm.s32 @!p1 $0x40  }
0x50: {  	v63 =	vld [tilespmem:s17+$0xFFFFFFC0];
	[tilespmem:s19+$0x410 ss:$0x41] =	vst.msk $0xffff, v5;
	s26 =	sadd.s32 $0xFFF0BE40, s24;
	s17 =	ssub.s32 $0xF4240, s24;
	s21 =	ssub.s32 s21, s22  }
0x51: {  	[tilespmem:s19+$0x820 ss:$0x41] =	vst.msk $0xffff, v58;
	s23 =	sshrl.u32 s31, $0xD;
	p1 =	sgt.s32 s26, $0x7F;
	s27 =	sadd.s32 $0xFFFFFFC0, s21  }
0x52: {  	[tilespmem:s19+$0xC30 ss:$0x41] =	vst.msk $0xffff, v59;
	s23 =	smul.u32 $0xF4240, s23;
	s18 =	ssub.s32 $0x80, s21;
	p2 =	sgt.s32 s27, $0x3F  }
.Ltmp4:
0x53: {  	[tilespmem:s19+$0x1040 ss:$0x41] =	vst.msk $0xffff, v60;
	s17 =	simm.s32 @p1 $0x0;
	s18 =	simm.s32 @p2 $0x0;
	(pc) =	sbr.rel .LBB1_5-.Ltmp4, $4  }
0x54: {  	s29 =	sand.u32 $0xF, s28;
	[tilespmem:s19+$0x1450 ss:$0x41] =	vst.msk $0xffff, v61;
	s20 =	ssub.s32 s20, s23;
	s17 =	smul.u32 s18, s17  }
0x55: {  	[tilespmem:s19+$0x1860 ss:$0x41] =	vst.msk $0xffff, v62;
	s21 =	sshll.u32 s30, $0x12;
	s20 =	sshll.u32 s20, $0x4;
	s18 =	sadd.s32 s5, s29  }
0x56: {  	[tilespmem:s19+$0x0 ss:$0x41] =	vst.msk $0xffff, v63;
	s31 =	sor.u32 $0x40, s21;
	s18 =	sadd.s32 s20, s18;
	s17 =	sand.u32 $0x3FFFFFFF, s17  }
0x57: {  	[hbm4b:s18+s31] =	stream.strided.scatter [tilespmem:s16], [sflag:$0x2], s17, s8, s31, $0x18;
	[tilespmem:$0x8100] =	vst v63  }
.LBB1_6:
0x58: {  	_ =	sfence.sel $0x180000  }
0x59: {  	s2 =	simm.s32 $0x1;
	[bflag:$0x0] =	sbarrier.arrive $0xFFFF  }
0x5a: {  	s31 =	simm.s32 $0x2;
	[sflag:s2] =	ssyncpa.u1 $0x1  }
0x5b: {  	[sflag:s31] =	ssyncpa.u1 $0x1  }
0x5c: {  	p0 =	sne.s32 s1, $0x0;
	_ =	strace $0x90000047  }
0x5d: {  	s0 =	sadd.s32 @!p0 $0x100000, s0;
	[bflag:$0x2] =	sbarrier.arrive $0xFFFF  }
0x5e: {  	[sflag:s0] =	ssyncadd.tile.s32 @!p0 $0x1;
	_ =	shalt  }
.Lfunc_end1:
_tile_overlayer_lowered:
.L_overlay_start_2:
0x5f: {  	(tag) =	ssettag $0x2  }
0x60: {  	s0 =	rddreg [dreg:$0x0];
	s2 =	stileid.u32  }
0x61: {  	s1 =	rddreg [dreg:$0x1];
	p0 =	sne.s32 s2, $0x0  }
0x62: {  	s3 =	rddreg [dreg:$0x2];
	[bflag:$0x3] =	sbarrier.arrive $0xFFFF;
	s2 =	simm.s32 @!p0 $0x1C01  }
0x63: {  	[timem:s3], [sflag:s2] =	dma.local @!p0 [hbm:s0], s1  }
0x64: {  	s0 =	simm.s32 @!p0 $0x1  }
0x65: {  	_ =	swait.ge @!p0 [sflag:s0], s1  }
0x66: {  	s1 =	ssub.s32 @!p0 $0x0, s1;
	[sflag:s0] =	ssyncset.done @!p0 $0x0  }
0x67: {  	[sflag:s0] =	ssyncadd.s32 @!p0 s1  }
0x68: {  	[bflag:$0x3] =	sbarrier.arrive $0xFFFF  }
0x69: {  	_ =	shalt  }

</sc_bundles>
